<compile_context>
chip_gen: v7x
topology: tpu7x:2x2x1
jax: 0.10.2.dev20260603
libtpu: 0.0.44.dev20260713+nightly
codegen_flags: <defaults>
</compile_context>

<pallas_src>
import functools

import jax
import jax.numpy as jnp
from jax import lax
from jax.experimental import pallas as pl
from jax.experimental.pallas import tpu as pltpu
from jax.experimental.pallas import tpu_sc as plsc

_LANES = 128


def _proj_body(tt_ref, w_ref, b_ref, out_ref):
    y = jnp.dot(w_ref[...], tt_ref[...],
                preferred_element_type=jnp.float32) + b_ref[...]
    yb = y.astype(jnp.bfloat16)
    u0 = lax.bitcast_convert_type(yb[0:1, :], jnp.uint16).astype(jnp.uint32)
    u1 = lax.bitcast_convert_type(yb[1:2, :], jnp.uint16).astype(jnp.uint32)
    w = ((u0 << 16) | u1)[0, :]
    out_ref[...] = lax.bitcast_convert_type(w, jnp.int32)


def _make_sc_gather(pwords, batch):
    info = plsc.get_sparse_core_info()
    nc, ns = info.num_cores, info.num_subcores
    nw = nc * ns
    assert batch % (8 * nw) == 0
    b_per_w = batch // nw
    mesh = plsc.VectorSubcoreMesh(core_axis_name="c", subcore_axis_name="s")

    @functools.partial(
        pl.kernel,
        mesh=mesh,
        out_type=jax.ShapeDtypeStruct((batch,), jnp.int32),
        scratch_types=[
            pltpu.VMEM((b_per_w,), jnp.int32),
            pltpu.VMEM((b_per_w,), jnp.int32),
            pltpu.SemaphoreType.DMA,
        ],
    )
    def gather_rows(tids_hbm, p_hbm, out_hbm, idx_v, words_v, sem):
        wid = lax.axis_index("s") * nc + lax.axis_index("c")
        base = wid * b_per_w
        pltpu.sync_copy(tids_hbm.at[0, pl.ds(base, b_per_w)], idx_v)
        pltpu.async_copy(p_hbm.at[idx_v], words_v, sem).wait()
        pltpu.sync_copy(words_v, out_hbm.at[pl.ds(base, b_per_w)])

    return gather_rows


def _loss_body(gath_ref, labels_ref, l0_ref, l1_ref, loss_ref):
    u = lax.bitcast_convert_type(gath_ref[...], jnp.uint32)
    l0 = lax.bitcast_convert_type(
        (u >> 16).astype(jnp.uint16), jnp.bfloat16).astype(jnp.float32)
    l1 = lax.bitcast_convert_type(
        (u & 0xFFFF).astype(jnp.uint16), jnp.bfloat16).astype(jnp.float32)
    m = jnp.maximum(l0, l1)
    lse = m + jnp.log(jnp.exp(l0 - m) + jnp.exp(l1 - m))
    picked = jnp.where(labels_ref[...] == 0, l0, l1)
    l0_ref[...] = l0
    l1_ref[...] = l1
    loss_ref[0, 0] = jnp.mean(lse - picked)


def kernel(input_ids, labels, emb_table, W, b):
    batch = input_ids.shape[0]
    vocab, dim = emb_table.shape
    num_labels = W.shape[0]
    blk = 32768
    grid = -(-vocab // blk)
    rows = batch // _LANES

    tt = emb_table.T
    tids = input_ids.T

    packed = pl.pallas_call(
        _proj_body,
        grid=(grid,),
        in_specs=[
            pl.BlockSpec((dim, blk), lambda i: (0, i)),
            pl.BlockSpec((num_labels, dim), lambda i: (0, 0)),
            pl.BlockSpec((num_labels, 1), lambda i: (0, 0)),
        ],
        out_specs=pl.BlockSpec((blk,), lambda i: (i,)),
        out_shape=jax.ShapeDtypeStruct((vocab,), jnp.int32),
        compiler_params=pltpu.CompilerParams(vmem_limit_bytes=100 << 20),
    )(tt, W, b[:, None])

    gath = _make_sc_gather(vocab, batch)(tids, packed)

    l0, l1, loss = pl.pallas_call(
        _loss_body,
        out_shape=(
            jax.ShapeDtypeStruct((rows, _LANES), jnp.float32),
            jax.ShapeDtypeStruct((rows, _LANES), jnp.float32),
            jax.ShapeDtypeStruct((1, 1), jnp.float32),
        ),
        in_specs=[pl.BlockSpec(memory_space=pltpu.VMEM)] * 2,
        out_specs=(
            pl.BlockSpec(memory_space=pltpu.VMEM),
            pl.BlockSpec(memory_space=pltpu.VMEM),
            pl.BlockSpec(memory_space=pltpu.SMEM),
        ),
    )(gath.reshape(rows, _LANES), labels.reshape(rows, _LANES))

    logits = jnp.stack([l0.reshape(batch), l1.reshape(batch)], axis=1)
    return loss[0, 0], logits

# --- scband reference (transcript-rebuilt; emitter-appended) ---
"""Pipeline reference for scband-ngram-cls-12111807775455 (READ-ONLY COPY).

The authoritative reference and input builder live on the scoring server;
editing this copy changes nothing except your own understanding.
"""

import jax, jax.numpy as jnp
import numpy as np

VOCAB = 100000
EMBED_DIM = 64
NUM_LABELS = 2
BATCH = 4096
SEQ = 50


def setup_inputs(seed: int = 0) -> dict:
    key = jax.random.key(seed)
    k1, k2, k3, k4 = jax.random.split(key, 4)
    input_ids = jax.random.randint(k1, (BATCH, SEQ), 0, VOCAB, dtype=jnp.int32)
    labels = jax.random.randint(k2, (BATCH,), 0, NUM_LABELS, dtype=jnp.int32)
    # init_weights() overwrites pretrained embeddings with uniform(-0.5, 0.5)
    emb_table = jax.random.uniform(k3, (VOCAB, EMBED_DIM), dtype=jnp.float32, minval=-0.5, maxval=0.5)
    W = jax.random.uniform(k4, (NUM_LABELS, EMBED_DIM), dtype=jnp.float32, minval=-0.5, maxval=0.5)
    b = jnp.zeros((NUM_LABELS,), dtype=jnp.float32)
    return {"input_ids": input_ids, "labels": labels, "emb_table": emb_table, "W": W, "b": b}


def reference(input_ids, labels, emb_table, W, b):
    # embedding lookup: [B, L, D]
    output = jnp.take(emb_table, input_ids, axis=0)
    # take first token: [B, D]
    output = output[:, 0, :]
    # linear: [B, num_labels]
    logits = output @ W.T + b
    # CrossEntropyLoss (mean reduction)
    logp = jax.nn.log_softmax(logits, axis=-1)
    nll = -jnp.take_along_axis(logp, labels[:, None].astype(jnp.int32), axis=1)[:, 0]
    loss = jnp.mean(nll)
    return (loss, logits)

if __name__ == "__main__":
    import jax
    _d = setup_inputs()
    print(jax.jit(kernel)(*tuple(_d.values())))

</pallas_src>

<mosaic_0001>
#map = affine_map<(d0, d1) -> (0, 0)>
#map1 = affine_map<(d0, d1) -> (0)>
module attributes {stable_mosaic.version = 14 : i64} {
  func.func @gather_rows(%arg0: i32, %arg1: i32, %arg2: memref<50x4096xi32, #tpu.memory_space<hbm>>, %arg3: memref<100000xi32, #tpu.memory_space<hbm>>, %arg4: memref<4096xi32, #tpu.memory_space<hbm>>, %arg5: memref<128xi32, #tpu.memory_space<vmem>>, %arg6: memref<128xi32, #tpu.memory_space<vmem>>, %arg7: memref<!tpu.dma_semaphore, #tpu.memory_space<semaphore_mem>>) attributes {dimension_semantics = [#tpu.dimension_semantics<core_parallel>, #tpu.dimension_semantics<subcore_parallel>], iteration_bounds = array<i64: 2, 16>, scalar_prefetch = 0 : i64, scratch_operands = 3 : i64, tpu.core_type = #tpu.core_type<sc_vector_subcore>, window_params = [{transform_indices = #map}, {transform_indices = #map1}, {transform_indices = #map1}]} {
    %mul3A = arith.constant 2 : i32
    %mul3A_0 = arith.muli %arg1, %mul3A : i32
    %add3A = arith.addi %mul3A_0, %arg0 : i32
    %mul3A_1 = arith.constant 128 : i32
    %mul3A_2 = arith.muli %add3A, %mul3A_1 : i32
    %run_scoped3A = arith.constant 0 : i32
    "tpu.region"() ({
      %run_scoped3A_5 = tpu.sem_alloc : memref<!tpu.dma_semaphore, #tpu.memory_space<semaphore_mem>>
      %dma_start3A_6 = tpu.memref_slice %arg2[%run_scoped3A, %mul3A_2] : memref<50x4096xi32, #tpu.memory_space<hbm>> -> memref<1x128xi32, #tpu.memory_space<hbm>>
      %dma_start3A_7 = tpu.memref_squeeze %dma_start3A_6 : memref<1x128xi32, #tpu.memory_space<hbm>> -> memref<128xi32, #tpu.memory_space<hbm>>
      %dma_start3A_8 = tpu.memref_slice %arg2[%run_scoped3A, %mul3A_2] : memref<50x4096xi32, #tpu.memory_space<hbm>> -> memref<1x128xi32, #tpu.memory_space<hbm>>
      %dma_start3A_9 = tpu.memref_squeeze %dma_start3A_8 : memref<1x128xi32, #tpu.memory_space<hbm>> -> memref<128xi32, #tpu.memory_space<hbm>>
      tpu.enqueue_dma source(%dma_start3A_9 : memref<128xi32, #tpu.memory_space<hbm>>) target(%arg5 : memref<128xi32, #tpu.memory_space<vmem>>) target_semaphore(%run_scoped3A_5 : memref<!tpu.dma_semaphore, #tpu.memory_space<semaphore_mem>>)
      %dma_wait3A_10 = tpu.memref_slice %arg2[%run_scoped3A, %mul3A_2] : memref<50x4096xi32, #tpu.memory_space<hbm>> -> memref<1x128xi32, #tpu.memory_space<hbm>>
      %dma_wait3A_11 = tpu.memref_squeeze %dma_wait3A_10 : memref<1x128xi32, #tpu.memory_space<hbm>> -> memref<128xi32, #tpu.memory_space<hbm>>
      %dma_wait3A_12 = tpu.memref_slice %arg2[%run_scoped3A, %mul3A_2] : memref<50x4096xi32, #tpu.memory_space<hbm>> -> memref<1x128xi32, #tpu.memory_space<hbm>>
      %dma_wait3A_13 = tpu.memref_squeeze %dma_wait3A_12 : memref<1x128xi32, #tpu.memory_space<hbm>> -> memref<128xi32, #tpu.memory_space<hbm>>
      tpu.wait_dma2 semaphore(%run_scoped3A_5 : memref<!tpu.dma_semaphore, #tpu.memory_space<semaphore_mem>>) src(%dma_wait3A_13 : memref<128xi32, #tpu.memory_space<hbm>>) dst(%arg5 : memref<128xi32, #tpu.memory_space<vmem>>)
      tpu.yield
    }) : () -> ()
    %dma_start3A = arith.constant 0 : i32
    %dma_start3A_3 = tpu.memref_slice %arg3[%dma_start3A] : memref<100000xi32, #tpu.memory_space<hbm>> -> memref<100000xi32, #tpu.memory_space<hbm>>
    tpu.enqueue_indirect_dma source(%dma_start3A_3 : memref<100000xi32, #tpu.memory_space<hbm>>) target(%arg6 : memref<128xi32, #tpu.memory_space<vmem>>) offsets(%arg5 : memref<128xi32, #tpu.memory_space<vmem>>) semaphore(%arg7 : memref<!tpu.dma_semaphore, #tpu.memory_space<semaphore_mem>>)
    %dma_wait3A = arith.constant 0 : i32
    %dma_wait3A_4 = tpu.memref_slice %arg3[%dma_wait3A] : memref<100000xi32, #tpu.memory_space<hbm>> -> memref<100000xi32, #tpu.memory_space<hbm>>
    tpu.wait_indirect_dma semaphore(%arg7 : memref<!tpu.dma_semaphore, #tpu.memory_space<semaphore_mem>>) src(%dma_wait3A_4 : memref<100000xi32, #tpu.memory_space<hbm>>) dst(%arg6 : memref<128xi32, #tpu.memory_space<vmem>>)
    "tpu.region"() ({
      %run_scoped3A_5 = tpu.sem_alloc : memref<!tpu.dma_semaphore, #tpu.memory_space<semaphore_mem>>
      %dma_start3A_6 = tpu.memref_slice %arg4[%mul3A_2] : memref<4096xi32, #tpu.memory_space<hbm>> -> memref<128xi32, #tpu.memory_space<hbm>>
      %dma_start3A_7 = tpu.memref_slice %arg4[%mul3A_2] : memref<4096xi32, #tpu.memory_space<hbm>> -> memref<128xi32, #tpu.memory_space<hbm>>
      tpu.enqueue_dma source(%arg6 : memref<128xi32, #tpu.memory_space<vmem>>) target(%dma_start3A_7 : memref<128xi32, #tpu.memory_space<hbm>>) target_semaphore(%run_scoped3A_5 : memref<!tpu.dma_semaphore, #tpu.memory_space<semaphore_mem>>)
      %dma_wait3A_8 = tpu.memref_slice %arg4[%mul3A_2] : memref<4096xi32, #tpu.memory_space<hbm>> -> memref<128xi32, #tpu.memory_space<hbm>>
      %dma_wait3A_9 = tpu.memref_slice %arg4[%mul3A_2] : memref<4096xi32, #tpu.memory_space<hbm>> -> memref<128xi32, #tpu.memory_space<hbm>>
      tpu.wait_dma2 semaphore(%run_scoped3A_5 : memref<!tpu.dma_semaphore, #tpu.memory_space<semaphore_mem>>) src(%arg6 : memref<128xi32, #tpu.memory_space<vmem>>) dst(%dma_wait3A_9 : memref<128xi32, #tpu.memory_space<hbm>>)
      tpu.yield
    }) : () -> ()
    return
  }
}

module attributes {stable_mosaic.version = 14 : i64} {
  func.func @_proj_body(%arg0: i32, %arg1: memref<64x32768xf32, #tpu.memory_space<vmem>>, %arg2: memref<2x64xf32, #tpu.memory_space<vmem>>, %arg3: memref<2x1xf32, #tpu.memory_space<vmem>>, %arg4: memref<32768xi32, #tpu.memory_space<vmem>>) attributes {dimension_semantics = [#tpu.dimension_semantics<arbitrary>], iteration_bounds = array<i64: 4>, scalar_prefetch = 0 : i64, scratch_operands = 0 : i64, tpu.core_type = #tpu.core_type<tc>, window_params = [{transform_indices = @transform_0, window_bounds = array<i64: 64, 32768>}, {pipeline_mode = #tpu.pipeline_mode<synchronous>, transform_indices = @transform_1, window_bounds = array<i64: 2, 64>}, {pipeline_mode = #tpu.pipeline_mode<synchronous>, transform_indices = @transform_2, window_bounds = array<i64: 2, 1>}, {transform_indices = @transform_3, window_bounds = array<i64: 32768>}]} {
    %get3A = arith.constant 0 : index
    %get3A_0 = arith.constant 0 : index
    %get3A_1 = vector.load %arg2[%get3A, %get3A_0] : memref<2x64xf32, #tpu.memory_space<vmem>>, vector<2x64xf32>
    %get3A_2 = arith.constant 0 : index
    %get3A_3 = arith.constant 0 : index
    %get3A_4 = vector.load %arg1[%get3A_2, %get3A_3] : memref<64x32768xf32, #tpu.memory_space<vmem>>, vector<64x32768xf32>
    %dot_general3A = arith.constant dense<0.000000e+00> : vector<2x32768xf32>
    %dot_general3A_5 = tpu.matmul %get3A_1, %get3A_4, %dot_general3A {dimension_numbers = #tpu.dot_dimension_numbers<[1], [0], [0], [1], [0, 0, 1, 1], [], []>, transpose_lhs_hint = false} : vector<2x64xf32>, vector<64x32768xf32>, vector<2x32768xf32> -> vector<2x32768xf32>
    %get3A_6 = arith.constant 0 : index
    %get3A_7 = arith.constant 0 : index
    %get3A_8 = vector.load %arg3[%get3A_6, %get3A_7] : memref<2x1xf32, #tpu.memory_space<vmem>>, vector<2x1xf32>
    %add3A = vector.broadcast %get3A_8 : vector<2x1xf32> to vector<2x32768xf32>
    %add3A_9 = arith.addf %dot_general3A_5, %add3A : vector<2x32768xf32>
    %convert_element_type3A = arith.truncf %add3A_9 : vector<2x32768xf32> to vector<2x32768xbf16>
    %slice3A = vector.extract_strided_slice %convert_element_type3A {offsets = [0, 0], sizes = [1, 32768], strides = [1, 1]} : vector<2x32768xbf16> to vector<1x32768xbf16>
    %bitcast_convert_type3A = tpu.bitcast %slice3A : vector<1x32768xbf16> -> vector<1x32768xi16>
    %convert_element_type3A_10 = arith.extui %bitcast_convert_type3A : vector<1x32768xi16> to vector<1x32768xi32>
    %slice3A_11 = vector.extract_strided_slice %convert_element_type3A {offsets = [1, 0], sizes = [1, 32768], strides = [1, 1]} : vector<2x32768xbf16> to vector<1x32768xbf16>
    %bitcast_convert_type3A_12 = tpu.bitcast %slice3A_11 : vector<1x32768xbf16> -> vector<1x32768xi16>
    %convert_element_type3A_13 = arith.extui %bitcast_convert_type3A_12 : vector<1x32768xi16> to vector<1x32768xi32>
    %shift_left3A = arith.constant 16 : i32
    %shift_left3A_14 = vector.broadcast %shift_left3A : i32 to vector<1x32768xi32>
    %shift_left3A_15 = arith.shli %convert_element_type3A_10, %shift_left3A_14 : vector<1x32768xi32>
    %or3A = arith.ori %shift_left3A_15, %convert_element_type3A_13 : vector<1x32768xi32>
    %squeeze3A = vector.shape_cast %or3A : vector<1x32768xi32> to vector<32768xi32>
    %bitcast_convert_type3A_16 = tpu.bitcast %squeeze3A : vector<32768xi32> -> vector<32768xi32>
    %swap3A = arith.constant 0 : index
    %swap3A_17 = vector.load %arg4[%swap3A] : memref<32768xi32, #tpu.memory_space<vmem>>, vector<32768xi32>
    tpu.vector_store %arg4[%swap3A], %bitcast_convert_type3A_16 {strides = array<i32>} : memref<32768xi32, #tpu.memory_space<vmem>>, vector<32768xi32>,
    return
  }
  func.func @transform_0(%arg0: i32) -> (i32, i32) {
    %c0_i32 = arith.constant 0 : i32
    %c0_i32_0 = arith.constant 0 : i32
    return %c0_i32, %arg0 : i32, i32
  }
  func.func @transform_1(%arg0: i32) -> (i32, i32) {
    %c0_i32 = arith.constant 0 : i32
    %c0_i32_0 = arith.constant 0 : i32
    %c0_i32_1 = arith.constant 0 : i32
    return %c0_i32, %c0_i32_0 : i32, i32
  }
  func.func @transform_2(%arg0: i32) -> (i32, i32) {
    %c0_i32 = arith.constant 0 : i32
    %c0_i32_0 = arith.constant 0 : i32
    %c0_i32_1 = arith.constant 0 : i32
    return %c0_i32, %c0_i32_0 : i32, i32
  }
  func.func @transform_3(%arg0: i32) -> i32 {
    %c0_i32 = arith.constant 0 : i32
    return %arg0 : i32
  }
}

module attributes {stable_mosaic.version = 14 : i64} {
  func.func @_loss_body(%arg0: memref<32x128xi32, #tpu.memory_space<vmem>>, %arg1: memref<32x128xi32, #tpu.memory_space<vmem>>, %arg2: memref<32x128xf32, #tpu.memory_space<vmem>>, %arg3: memref<32x128xf32, #tpu.memory_space<vmem>>, %arg4: memref<1x1xf32, #tpu.memory_space<smem>>) attributes {dimension_semantics = [], scalar_prefetch = 0 : i64, scratch_operands = 0 : i64, tpu.core_type = #tpu.core_type<tc>} {
    %get3A = arith.constant 0 : index
    %get3A_0 = arith.constant 0 : index
    %get3A_1 = vector.load %arg0[%get3A, %get3A_0] : memref<32x128xi32, #tpu.memory_space<vmem>>, vector<32x128xi32>
    %bitcast_convert_type3A = tpu.bitcast %get3A_1 : vector<32x128xi32> -> vector<32x128xi32>
    %shift_right_logical3A = arith.constant 16 : i32
    %shift_right_logical3A_2 = vector.broadcast %shift_right_logical3A : i32 to vector<32x128xi32>
    %shift_right_logical3A_3 = arith.shrui %bitcast_convert_type3A, %shift_right_logical3A_2 : vector<32x128xi32>
    %convert_element_type3A = arith.trunci %shift_right_logical3A_3 : vector<32x128xi32> to vector<32x128xi16>
    %bitcast_convert_type3A_4 = tpu.bitcast %convert_element_type3A : vector<32x128xi16> -> vector<32x128xbf16>
    %convert_element_type3A_5 = arith.extf %bitcast_convert_type3A_4 : vector<32x128xbf16> to vector<32x128xf32>
    %and3A = arith.constant 65535 : i32
    %and3A_6 = vector.broadcast %and3A : i32 to vector<32x128xi32>
    %and3A_7 = arith.andi %bitcast_convert_type3A, %and3A_6 : vector<32x128xi32>
    %convert_element_type3A_8 = arith.trunci %and3A_7 : vector<32x128xi32> to vector<32x128xi16>
    %bitcast_convert_type3A_9 = tpu.bitcast %convert_element_type3A_8 : vector<32x128xi16> -> vector<32x128xbf16>
    %convert_element_type3A_10 = arith.extf %bitcast_convert_type3A_9 : vector<32x128xbf16> to vector<32x128xf32>
    %max3A = arith.maximumf %convert_element_type3A_5, %convert_element_type3A_10 : vector<32x128xf32>
    %sub3A = arith.subf %convert_element_type3A_5, %max3A : vector<32x128xf32>
    %exp3A = math.exp %sub3A : vector<32x128xf32>
    %sub3A_11 = arith.subf %convert_element_type3A_10, %max3A : vector<32x128xf32>
    %exp3A_12 = math.exp %sub3A_11 : vector<32x128xf32>
    %add3A = arith.addf %exp3A, %exp3A_12 : vector<32x128xf32>
    %log3A = math.log %add3A : vector<32x128xf32>
    %add3A_13 = arith.addf %max3A, %log3A : vector<32x128xf32>
    %get3A_14 = arith.constant 0 : index
    %get3A_15 = arith.constant 0 : index
    %get3A_16 = vector.load %arg1[%get3A_14, %get3A_15] : memref<32x128xi32, #tpu.memory_space<vmem>>, vector<32x128xi32>
    %eq3A = arith.constant 0 : i32
    %eq3A_17 = vector.broadcast %eq3A : i32 to vector<32x128xi32>
    %eq3A_18 = arith.cmpi eq, %get3A_16, %eq3A_17 : vector<32x128xi32>
    %select_n3A = arith.select %eq3A_18, %convert_element_type3A_5, %convert_element_type3A_10 : vector<32x128xi1>, vector<32x128xf32>
    %swap3A = arith.constant 0 : index
    %swap3A_19 = arith.constant 0 : index
    %swap3A_20 = vector.load %arg2[%swap3A, %swap3A_19] : memref<32x128xf32, #tpu.memory_space<vmem>>, vector<32x128xf32>
    tpu.vector_store %arg2[%swap3A, %swap3A_19], %convert_element_type3A_5 {strides = array<i32>} : memref<32x128xf32, #tpu.memory_space<vmem>>, vector<32x128xf32>,
    %swap3A_21 = arith.constant 0 : index
    %swap3A_22 = arith.constant 0 : index
    %swap3A_23 = vector.load %arg3[%swap3A_21, %swap3A_22] : memref<32x128xf32, #tpu.memory_space<vmem>>, vector<32x128xf32>
    tpu.vector_store %arg3[%swap3A_21, %swap3A_22], %convert_element_type3A_10 {strides = array<i32>} : memref<32x128xf32, #tpu.memory_space<vmem>>, vector<32x128xf32>,
    %sub3A_24 = arith.subf %add3A_13, %select_n3A : vector<32x128xf32>
    %reduce_sum3A = vector.shape_cast %sub3A_24 : vector<32x128xf32> to vector<1x32x128xf32>
    %reduce_sum3A_25 = arith.constant dense<0.000000e+00> : vector<1xf32>
    %reduce_sum3A_26 = vector.multi_reduction <add>, %reduce_sum3A, %reduce_sum3A_25 [1, 2] : vector<1x32x128xf32> to vector<1xf32>
    %reduce_sum3A_27 = vector.shape_cast %reduce_sum3A_26 : vector<1xf32> to vector<1x1x1xf32>
    %reduce_sum3A_28 = vector.extract %reduce_sum3A_27[0, 0, 0] : f32 from vector<1x1x1xf32>
    %div3A = arith.constant 4.096000e+03 : f32
    %div3A_29 = arith.divf %reduce_sum3A_28, %div3A : f32
    %swap3A_30 = arith.constant 0 : index
    %swap3A_31 = arith.constant 0 : index
    %swap3A_32 = memref.load %arg4[%swap3A_30, %swap3A_31] : memref<1x1xf32, #tpu.memory_space<smem>>
    memref.store %div3A_29, %arg4[%swap3A_30, %swap3A_31] : memref<1x1xf32, #tpu.memory_space<smem>>
    return
  }
}

</mosaic_0001>

<sc_bundles>
// kernel: kernel.5.cloned.1.call-start
scs
__scs_entry_jumppad:
0x0: {  	(pc) =	sbr.rel $0x88, $3  }
0x1: {  	(tag) =	ssettag $0x0;
	lr =	simm.s32 $0x1  }
0x2: {  	[smem:$0x3F9C] =	sst lr;
	_ =	strace $0xD0000000  }
0x3: {  	_ = 	snop  }
0x4: {  	_ = 	snop  }
0x5: {  	_ = 	snop  }
0x6: {  	_ = 	snop  }
0x7: {  	_ = 	snop  }
__scs_overlays_trampoline_lowered:
0x8: {  	[smem:$0x3FAB] =	sst s0  }
0x9: {  	[smem:$0x3FAC] =	sst s1  }
0xa: {  	[smem:$0x3FAD] =	sst s2  }
0xb: {  	[smem:$0x3FAE] =	sst s3  }
0xc: {  	[smem:$0x3FAF] =	sst s4  }
0xd: {  	[smem:$0x3FB0] =	sst s5  }
0xe: {  	[smem:$0x3FB1] =	sst s6  }
0xf: {  	[smem:$0x3FB2] =	sst s7  }
0x10: {  	[smem:$0x3FB3] =	sst s8  }
0x11: {  	[smem:$0x3FB4] =	sst s9;
	s0 =	simm.s32 @!p0 $0x0  }
0x12: {  	s1 =	sld [smem:$0x3F9A];
	s0 =	simm.s32 @p0 $0x1  }
0x13: {  	[smem:$0x3FB5] =	sst s0;
	s0 =	simm.s32 @!p1 $0x0  }
0x14: {  	s2 =	sld [smem:$0x3F99];
	s0 =	simm.s32 @p1 $0x1  }
0x15: {  	[smem:$0x3FB6] =	sst s0;
	s0 =	simm.s32 @!p2 $0x0  }
0x16: {  	s3 =	sld [smem:$0x3FDB];
	s0 =	simm.s32 @p2 $0x1  }
0x17: {  	s4 =	simm.s32 $0x1BF5;
	[smem:$0x3FB8] =	sst s0  }
0x18: {  	s0 =	sld [smem:$0x3F9B];
	_ =	swait.ge [sflag:s4], $0x0  }
0x19: {  	s7 =	sld [smem:$0x3F9C]  }
0x1a: {  	s8 =	sadd.s32 $0xFFFFE003, lr  }
0x1b: {  	s9 =	sadd.s32 $0xFFFFFEF7, lr;
	s5 =	simm.s32 $0xFFFFFFFF;
	p2 =	slt.u32 s8, $0xFFFFF086  }
0x1c: {  	p1 =	slt.u32 s9, $0xF7A;
	s5 =	simm.s32 @!p2 $0x0  }
0x1d: {  	s5 =	simm.s32 @p1 $0x1;
	p0 =	seq.s32 s7, s2  }
0x1e: {  	s7 =	smul.u32 @!p0 $0xF7A, s2;
	p2 =	seq.s32 @!p0 s5, $0x0  }
0x1f: {  	s9 =	smul.u32 $0xF7A, s1;
	s8 =	simm.s32 @!p0 $0x1BF5;
	p2 =	por !p2, p0  }
0x20: {  	[sflag:s8] =	ssyncset.s32 @!p0 $0xFFFFF086;
	s6 =	sadd.s32 @!p0 s3, s7;
	s7 =	simm.s32 @!p0 $0x108  }
0x21: {  	s3 =	sadd.s32 s3, s9;
	s6 =	sadd.s32 @!p0 $0x88, s6;
	s7 =	simm.s32 @p2 $0x1082  }
0x22: {  	[simem:s7], [sflag:s8] =	dma.local @!p0 [hbm:s6], $0xF7A  }
0x23: {  	s9 =	sor.u32 $0xD0000000, s2;
	s6 =	simm.s32 $0x108;
	_ =	swait.ge @!p0 [sflag:s8], $0x0  }
0x24: {  	s3 =	sadd.s32 $0x88, s3;
	s6 =	simm.s32 @!p1 $0x1082;
	[sflag:s4] =	ssyncset.s32 $0xFFFFF086  }
0x25: {  	[simem:s6], [sflag:s4] =	dma.local [hbm:s3], $0xF7A  }
0x26: {  	[smem:$0x3F9C] =	sst s1;
	(tag) =	ssettag s2;
	_ =	strace s9  }
0x27: {  	s1 =	sld [smem:$0x3FAC]  }
0x28: {  	s2 =	sld [smem:$0x3FAD]  }
0x29: {  	s4 =	sld [smem:$0x3FAF]  }
0x2a: {  	p0 =	seq.s32 s5, $0x0;
	s5 =	sld [smem:$0x3FB0]  }
0x2b: {  	s6 =	sld [smem:$0x3FB1]  }
0x2c: {  	s7 =	sld [smem:$0x3FB2]  }
0x2d: {  	s3 =	simm.s32 $0x108;
	s8 =	sld [smem:$0x3FB3]  }
0x2e: {  	s3 =	simm.s32 @!p0 $0x1082;
	s9 =	sld [smem:$0x3FB4]  }
0x2f: {  	lr =	sadd.s32 s0, s3;
	s0 =	sld [smem:$0x3FAB]  }
0x30: {  	s3 =	sld [smem:$0x3FAE]  }
0x31: {  	[smem:$0x3FB7] =	sst s10  }
0x32: {  	s10 =	sld [smem:$0x3FB5];
	_ =	sdelay $0x3  }
0x33: {  	p0 =	seq.s32 s10, $0x1;
	s10 =	sld [smem:$0x3FB7];
	_ =	sdelay $0x3  }
0x34: {  	[smem:$0x3FB7] =	sst s10  }
0x35: {  	s10 =	sld [smem:$0x3FB6];
	_ =	sdelay $0x3  }
0x36: {  	p1 =	seq.s32 s10, $0x1;
	s10 =	sld [smem:$0x3FB7];
	_ =	sdelay $0x3  }
0x37: {  	[smem:$0x3FB7] =	sst s10  }
0x38: {  	s10 =	sld [smem:$0x3FB8]  }
0x39: {  	_ = 	snop;
	(pc) =	sbr.ind lr, $3  }
0x3a: {  	_ = 	snop  }
0x3b: {  	_ = 	snop  }
0x3c: {  	p2 =	seq.s32 s10, $0x1;
	s10 =	sld [smem:$0x3FB7]  }
0x3d: {  	_ =	shalt  }
0x3e: {  	_ =	shalt  }
0x3f: {  	_ =	shalt  }
0x40: {  	_ =	shalt  }
0x41: {  	_ =	shalt  }
0x42: {  	_ =	shalt  }
0x43: {  	_ =	shalt  }
0x44: {  	_ =	shalt  }
0x45: {  	_ =	shalt  }
0x46: {  	_ =	shalt  }
0x47: {  	_ =	shalt  }
0x48: {  	_ =	shalt  }
0x49: {  	_ =	shalt  }
0x4a: {  	_ =	shalt  }
0x4b: {  	_ =	shalt  }
0x4c: {  	_ =	shalt  }
0x4d: {  	_ =	shalt  }
0x4e: {  	_ =	shalt  }
0x4f: {  	_ =	shalt  }
0x50: {  	_ =	shalt  }
0x51: {  	_ =	shalt  }
0x52: {  	_ =	shalt  }
0x53: {  	_ =	shalt  }
0x54: {  	_ =	shalt  }
0x55: {  	_ =	shalt  }
0x56: {  	_ =	shalt  }
0x57: {  	_ =	shalt  }
0x58: {  	_ =	shalt  }
0x59: {  	_ =	shalt  }
0x5a: {  	_ =	shalt  }
0x5b: {  	_ =	shalt  }
0x5c: {  	_ =	shalt  }
0x5d: {  	_ =	shalt  }
0x5e: {  	_ =	shalt  }
0x5f: {  	_ =	shalt  }
0x60: {  	_ =	shalt  }
0x61: {  	_ =	shalt  }
0x62: {  	_ =	shalt  }
0x63: {  	_ =	shalt  }
0x64: {  	_ =	shalt  }
0x65: {  	_ =	shalt  }
0x66: {  	_ =	shalt  }
0x67: {  	_ =	shalt  }
0x68: {  	_ =	shalt  }
0x69: {  	_ =	shalt  }
0x6a: {  	_ =	shalt  }
0x6b: {  	_ =	shalt  }
0x6c: {  	_ =	shalt  }
0x6d: {  	_ =	shalt  }
0x6e: {  	_ =	shalt  }
0x6f: {  	_ =	shalt  }
0x70: {  	_ =	shalt  }
0x71: {  	_ =	shalt  }
0x72: {  	_ =	shalt  }
0x73: {  	_ =	shalt  }
0x74: {  	_ =	shalt  }
0x75: {  	_ =	shalt  }
0x76: {  	_ =	shalt  }
0x77: {  	_ =	shalt  }
0x78: {  	_ =	shalt  }
0x79: {  	_ =	shalt  }
0x7a: {  	_ =	shalt  }
0x7b: {  	_ =	shalt  }
0x7c: {  	_ =	shalt  }
0x7d: {  	_ =	shalt  }
0x7e: {  	_ =	shalt  }
0x7f: {  	_ =	shalt  }
0x80: {  	_ =	shalt  }
0x81: {  	_ =	shalt  }
0x82: {  	_ =	shalt  }
0x83: {  	_ =	shalt  }
0x84: {  	_ =	shalt  }
0x85: {  	_ =	shalt  }
0x86: {  	_ =	shalt  }
0x87: {  	_ =	shalt  }
.Lfunc_end0:
.L_simem_size_0:
called_computation_lowered:
.L_overlay_start_0:
0x88: {  	s2 =	sld [smem:$0x3FD9]  }
0x89: {  	s3 =	sld [smem:$0x3FFE];
	_ =	sdelay $0x1  }
0x8a: {  	s1 =	srdreg.scid  }
0x8b: {  	s0 =	sand.u32 $0x1, s1  }
0x8c: {  	s14 =	sshll.u32 s0, $0xA;
	s2 =	sadd.s32 s3, s2  }
0x8d: {  	s2 =	sadd.s32 s2, s14  }
0x8e: {  	[smem:$0x3FC3] =	sst s2  }
0x8f: {  	_ = 	snop  }
0x90: {  	s2 =	sld [smem:$0x3FD0];
	_ =	sdelay $0x2  }
0x91: {  	s4 =	simm.s32 $0xA;
	s5 =	simm.s32 $0x10;
	s15 =	sld [smem:$0x3FC9]  }
0x92: {  	[smem:s5], [sflag:s4] =	dma.local [hbm:s2], $0x1  }
0x93: {  	_ =	swait.eq [sflag:s4], $0x1  }
0x94: {  	[sflag:s4] =	ssyncset.done $0x0  }
0x95: {  	[sflag:s4] =	ssyncadd.s32 $0xFFFFFFFF  }
0x96: {  	s16 =	sld [smem:$0x11];
	(tm) =	ssettm $0x1  }
0x97: {  	s17 =	sld [smem:$0x3FFB];
	_ =	sdelay $0x3  }
0x98: {  	_ =	strace s17  }
0x99: {  	s4 =	sld [smem:$0x3FFC];
	_ =	sdelay $0x3  }
0x9a: {  	_ =	strace s4  }
0x9b: {  	s4 =	sld [smem:$0x3FFD];
	_ =	sdelay $0x3  }
0x9c: {  	_ =	strace s4  }
0x9d: {  	_ =	strace $0x8FFFFFFF  }
0x9e: {  	s18 =	sld [smem:$0x3FDB];
	_ =	sdelay $0x1  }
0x9f: {  	s19 =	simm.s32 $_scs_section_size  }
0xa0: {  	s6 =	simm.s32 $_size__tile_overlayer_lowered;
	s7 =	simm.s32 $_tile_overlayer_lowered  }
0xa1: {  	s22 =	simm.s32 $0x1BFF;
	s21 =	sshll.u32 s7, $0x1;
	s4 =	sadd.s32 s19, s18  }
0xa2: {  	s8 =	simm.s32 $0x0;
	s20 =	sshll.u32 s6, $0x1;
	s6 =	sadd.s32 s21, s4  }
0xa3: {  	[timem:s8], [sflag:s22] =	dma.local [hbm:s6], s20  }
0xa4: {  	_ =	swait.ge [sflag:s22], s20  }
0xa5: {  	s5 =	ssub.s32 $0x0, s20;
	[sflag:s22] =	ssyncset.done $0x0  }
0xa6: {  	[sflag:s22] =	ssyncadd.s32 s5;
	_ =	sdelay $0x1  }
0xa7: {  	s23 =	simm.s32 $0x1B8B  }
0xa8: {  	_ =	swait.ge [sflag:s23], $0x1  }
0xa9: {  	[sflag:s23] =	ssyncset.done $0x0  }
0xaa: {  	s25 =	simm.s32 $0x1B8E;
	s24 =	sld [smem:$0x3FFE];
	[sflag:s23] =	ssyncadd.s32 $0xFFFFFFFF  }
0xab: {  	s26 =	simm.s32 $execute0_lowered;
	[smem:$0x3FD2] =	sst s25  }
0xac: {  	s6 =	sshll.u32 s26, $0x1;
	_ =	strace $0x80000046;
	[dreg:$0x1] =	wrdreg $0xFFFFFFFF  }
0xad: {  	s28 =	simm.s32 $_size_execute0_lowered;
	s4 =	sadd.s32 s4, s6;
	[dreg:$0x0] =	wrdreg $0x0  }
0xae: {  	s6 =	sshll.u32 s28, $0x1;
	[dreg:$0x2] =	wrdreg s4  }
0xaf: {  	[dreg:$0x3] =	wrdreg s6  }
0xb0: {  	[dreg:$0x4] =	wrdreg $0xC0  }
0xb1: {  	_ =	task [dreg:s8], $0x5FFFF  }
0xb2: {  	[dreg:$0x1] =	wrdreg $0xFFFFFFFF  }
0xb3: {  	[dreg:$0x0] =	wrdreg $0x60  }
0xb4: {  	[dreg:$0x2] =	wrdreg s15  }
0xb5: {  	[dreg:$0x3] =	wrdreg s24  }
0xb6: {  	[dreg:$0x4] =	wrdreg s16  }
0xb7: {  	[dreg:$0x5] =	wrdreg $0x9  }
0xb8: {  	_ =	task.clear_ibuf [dreg:s8], $0x6FFFF;
	_ =	strace $0x90000046  }
0xb9: {  	s29 =	simm.s32 $0x9;
	_ =	strace $0x80000048  }
0xba: {  	_ =	swait.ge [sflag:s29], $0x1  }
0xbb: {  	[sflag:s29] =	ssyncadd.s32 $0xFFFFFFFF  }
0xbc: {  	_ =	strace $0x90000048  }
0xbd: {  	_ =	sfence  }
0xbe: {  	s30 =	sld [smem:$0x0];
	_ =	sdelay $0x2  }
0xbf: {  	s31 =	sshll.u32 s1, $0xD;
	s1 =	sshrl.u32 s1, $0x2  }
0xc0: {  	s3 =	sand.u32 $0x4000, s31;
	s1 =	sadd.s32 s1, s30  }
0xc1: {  	s0 =	sor.u32 s3, s0;
	s1 =	sshll.u32 s1, $0x11  }
0xc2: {  	s0 =	sor.u32 s1, s0  }
0xc3: {  	s0 =	sadd.s32 $0x8F2B, s0  }
0xc4: {  	[sflag:s0] =	ssyncadd.remote.s32 $0x1  }
0xc5: {  	_ =	sfence.sel $0xFFFF  }
0xc6: {  	[dreg:$0x0] =	wrdreg $0xFFFFFFFF;
	(pc) =	sbr.abs _section_cstart, $3  }
0xc7: {  	[dreg:$0x1] =	wrdreg $0xFFFFFFFF  }
0xc8: {  	_ =	task.clear_ibuf [dreg:s8], $0x2FFFF;
	_ =	strace $0x9FFFFFFF  }
0xc9: {  	(tm) =	ssettm $0x7FFFFFFF  }
tec
execute0_lowered:
.L_overlay_start_1:
0x0: {  	(tag) =	ssettag $0x1  }
0x1: {  	s3 =	rddreg [dreg:$0x0]  }
0x2: {  	s5 =	rddreg [dreg:$0x1];
	s1 =	srdreg.scid  }
0x3: {  	s0 =	stileid.u32;
	s8 =	rddreg [dreg:$0x2]  }
0x4: {  	s2 =	simm.s32 $0x0;
	s6 =	sand.u32 $0x1, s1;
	s4 =	sshll.u32 s0, $0x1  }
0x5: {  	[smem:$0x7FF] =	sst s2;
	s9 =	sor.u32 s6, s4  }
0x6: {  	s1 =	rddreg [dreg:$0x3];
	_ =	strace $0x80000047;
	s4 =	sshll.u32 s9, $0x7  }
0x7: {  	s10 =	ssub.s32 $0x2, s6;
	s4 =	sadd.s32 s3, s4;
	s3 =	simm.s32 $0x2  }
0x8: {  	[tilespmem:s2], [sflag:$0x2] =	stream.linear.gather [hbm4b:s4+s2], $0x80, $0x38;
	[tilespmem:$0x100] =	vst v63  }
0x9: {  	s7 =	simm.s32 $0x1;
	s11 =	sshrl.u32 s10, $0x1;
	_ =	swait.ge [sflag:s3], $0x80  }
0xa: {  	s5 =	sadd.s32 $0xA00, s5;
	s10 =	ssub.s32 s10, s11;
	[sflag:s3] =	ssyncset.done $0x0  }
0xb: {  	s6 =	simm.s32 $0x80;
	s31 =	smax.u32 s10, $0x1;
	[sflag:s3] =	ssyncadd.s32 $0xFFFFFF80  }
0xc: {  	[tilespmem:s6], [sflag:$0x1] =	stream.indirect.gather [hbm4b:s5+s6], $0x1, s2, s6, $0xb8;
	[tilespmem:$0x100] =	vst v63  }
0xd: {  	p0 =	sne.s32 s31, $0x1;
	_ =	swait.ge [sflag:s7], $0x80  }
.Ltmp0:
0xe: {  	s9 =	sshll.u32 s9, $0x4;
	[sflag:s7] =	ssyncset.done $0x0;
	(pc) =	sbr.rel @!p0 .LBB2_2-.Ltmp0, $4  }
0xf: {  	s8 =	sadd.s32 s8, s9;
	[sflag:s7] =	ssyncadd.s32 $0xFFFFFF80  }
0x10: {  	[hbm4b:s8+s2] =	stream.linear.scatter [tilespmem:s6], [sflag:$0x2], $0x80, $0x38;
	[tilespmem:$0x100] =	vst v63  }
0x11: {  	_ =	swait.ge [sflag:s3], $0x80  }
0x12: {  	s9 =	sadd.s32 $0xFFFFFFFF, s31;
	[sflag:s3] =	ssyncset.done $0x0  }
.LBB2_1:
0x13: {  	p0 =	sne.s32 s9, $0x1;
	s9 =	sadd.s32 $0xFFFFFFFF, s9;
	[sflag:s3] =	ssyncadd.s32 $0xFFFFFF80  }
0x14: {  	[tilespmem:s2], [sflag:$0x2] =	stream.linear.gather [hbm4b:s4+s2], $0x80, $0x38;
	[tilespmem:$0x100] =	vst v63  }
0x15: {  	_ =	swait.ge [sflag:s3], $0x80  }
0x16: {  	[sflag:s3] =	ssyncset.done $0x0  }
0x17: {  	[sflag:s3] =	ssyncadd.s32 $0xFFFFFF80  }
0x18: {  	[tilespmem:s6], [sflag:$0x1] =	stream.indirect.gather [hbm4b:s5+s6], $0x1, s2, s6, $0xb8;
	[tilespmem:$0x100] =	vst v63  }
0x19: {  	_ =	swait.ge [sflag:s7], $0x80  }
.Ltmp1:
0x1a: {  	[sflag:s7] =	ssyncset.done $0x0;
	(pc) =	sbr.rel @p0 .LBB2_1-.Ltmp1, $4  }
0x1b: {  	[sflag:s7] =	ssyncadd.s32 $0xFFFFFF80  }
0x1c: {  	[hbm4b:s8+s2] =	stream.linear.scatter [tilespmem:s6], [sflag:$0x2], $0x80, $0x38;
	[tilespmem:$0x100] =	vst v63  }
0x1d: {  	_ =	swait.ge [sflag:s3], $0x80  }
0x1e: {  	[sflag:s3] =	ssyncset.done $0x0  }
.LBB2_2:
0x1f: {  	[sflag:s3] =	ssyncadd.s32 $0xFFFFFF80  }
0x20: {  	_ =	sfence.sel $0x180000  }
0x21: {  	[bflag:$0x0] =	sbarrier.arrive $0xFFFF  }
0x22: {  	p0 =	sne.s32 s0, $0x0;
	_ =	strace $0x90000047  }
0x23: {  	s0 =	sadd.s32 @!p0 $0x100000, s1;
	[bflag:$0x2] =	sbarrier.arrive $0xFFFF  }
0x24: {  	[sflag:s0] =	ssyncadd.tile.s32 @!p0 $0x1;
	_ =	shalt  }
.Lfunc_end2:
_tile_overlayer_lowered:
.L_overlay_start_2:
0x25: {  	(tag) =	ssettag $0x2  }
0x26: {  	s0 =	rddreg [dreg:$0x0];
	s2 =	stileid.u32  }
0x27: {  	s1 =	rddreg [dreg:$0x1];
	p0 =	sne.s32 s2, $0x0  }
0x28: {  	s3 =	rddreg [dreg:$0x2];
	[bflag:$0x3] =	sbarrier.arrive $0xFFFF;
	s2 =	simm.s32 @!p0 $0x1C02  }
0x29: {  	[timem:s3], [sflag:s2] =	dma.local @!p0 [hbm:s0], s1  }
0x2a: {  	s0 =	simm.s32 @!p0 $0x2  }
0x2b: {  	_ =	swait.ge @!p0 [sflag:s0], s1  }
0x2c: {  	s1 =	ssub.s32 @!p0 $0x0, s1;
	[sflag:s0] =	ssyncset.done @!p0 $0x0  }
0x2d: {  	[sflag:s0] =	ssyncadd.s32 @!p0 s1  }
0x2e: {  	[bflag:$0x3] =	sbarrier.arrive $0xFFFF  }
0x2f: {  	_ =	shalt  }

</sc_bundles>
